<compile_context>
chip_gen: v7x
topology: tpu7x:2x2x1
jax: 0.10.2.dev20260603
libtpu: 0.0.44.dev20260713+nightly
codegen_flags: <defaults>
</compile_context>

<pallas_src>
import functools

import jax
import jax.numpy as jnp
from jax import lax
from jax.experimental import pallas as pl
from jax.experimental.pallas import tpu as pltpu
from jax.experimental.pallas import tpu_sc as plsc

_NUM_EMB = 197
_DIM = 768
_SPLIT_ROW = 96
_MAX_ROWS = _NUM_EMB - _SPLIT_ROW
_NUM_SUBCORES = 16


def _broadcast_table_sc(W, batch):
    b_per_tile = batch // _NUM_SUBCORES
    mesh = plsc.VectorSubcoreMesh(core_axis_name="c", subcore_axis_name="s")

    @functools.partial(
        pl.kernel,
        out_type=jax.ShapeDtypeStruct((_NUM_EMB, batch, _DIM), W.dtype),
        mesh=mesh,
        scratch_types=[
            pltpu.VMEM((_MAX_ROWS, _DIM), W.dtype),
            pltpu.SemaphoreType.DMA,
        ],
    )
    def k(w_hbm, out_hbm, w_tile, sem):
        core = lax.axis_index("c")
        sub = lax.axis_index("s")
        base = sub * b_per_tile

        def do_half(r0, nrows):
            wt = w_tile.at[pl.ds(0, nrows), :]
            pltpu.sync_copy(w_hbm.at[pl.ds(r0, nrows), :], wt)

            @pl.loop(0, b_per_tile)
            def _(i):
                pltpu.async_copy(
                    wt, out_hbm.at[pl.ds(r0, nrows), base + i, :], sem
                )

            @pl.loop(0, b_per_tile)
            def _(i):
                pltpu.make_async_copy(
                    wt, out_hbm.at[pl.ds(r0, nrows), base + i, :], sem
                ).wait()

        @pl.when(core == 0)
        def _():
            do_half(0, _SPLIT_ROW)

        @pl.when(core == 1)
        def _():
            do_half(_SPLIT_ROW, _MAX_ROWS)

    return k(W)


def kernel(x, W):
    out = _broadcast_table_sc(W, x.shape[0])
    return jnp.transpose(out, (1, 0, 2))

# --- scband reference (transcript-rebuilt; emitter-appended) ---
"""Pipeline reference for scband-positional-embedding-6073083757146 (READ-ONLY COPY).

The authoritative reference and input builder live on the scoring server;
editing this copy changes nothing except your own understanding.
"""

import jax, jax.numpy as jnp
import numpy as np

NUM_EMBEDDINGS = 197  # patch_embeddings + 1
EMBED_DIM = 768
BATCH = 256

def setup_inputs(seed: int = 0) -> dict:
    key = jax.random.key(seed)
    k1, k2 = jax.random.split(key)
    x = jax.random.normal(k1, (BATCH, NUM_EMBEDDINGS, EMBED_DIM), dtype=jnp.float32)
    # learned embedding table (nn.Embedding weight), default init ~ N(0,1)
    W = jax.random.normal(k2, (NUM_EMBEDDINGS, EMBED_DIM), dtype=jnp.float32)
    return {"x": x, "W": W}

def reference(x, W):
    batch = x.shape[0]
    # positional_ints = arange(0, num_embeddings).repeat(batch, 1)
    positional_ints = jnp.broadcast_to(jnp.arange(NUM_EMBEDDINGS, dtype=jnp.int32)[None, :], (batch, NUM_EMBEDDINGS))
    # embedding lookup: gather rows of W
    embedding = jnp.take(W, positional_ints, axis=0)  # [batch, num_embeddings, embed_dim]
    return embedding

if __name__ == "__main__":
    import jax
    _d = setup_inputs()
    print(jax.jit(kernel)(*tuple(_d.values())))

</pallas_src>

<mosaic_0001>
#map = affine_map<(d0, d1) -> (0, 0)>
#map1 = affine_map<(d0, d1) -> (0, 0, 0)>
module attributes {stable_mosaic.version = 14 : i64} {
  func.func @k(%arg0: i32, %arg1: i32, %arg2: memref<197x768xf32, #tpu.memory_space<hbm>>, %arg3: memref<197x256x768xf32, #tpu.memory_space<hbm>>, %arg4: memref<101x768xf32, #tpu.memory_space<vmem>>, %arg5: memref<!tpu.dma_semaphore, #tpu.memory_space<semaphore_mem>>) attributes {dimension_semantics = [#tpu.dimension_semantics<core_parallel>, #tpu.dimension_semantics<subcore_parallel>], iteration_bounds = array<i64: 2, 16>, scalar_prefetch = 0 : i64, scratch_operands = 2 : i64, tpu.core_type = #tpu.core_type<sc_vector_subcore>, window_params = [{transform_indices = #map}, {transform_indices = #map1}]} {
    %mul3A = arith.constant 16 : i32
    %mul3A_0 = arith.muli %arg1, %mul3A : i32
    %eq3A = arith.constant 0 : i32
    %eq3A_1 = arith.cmpi eq, %arg0, %eq3A : i32
    %convert_element_type3A = arith.extui %eq3A_1 : i1 to i32
    %cond3A = arith.constant 0 : i32
    %cond3A_2 = arith.cmpi ne, %convert_element_type3A, %cond3A : i32
    scf.if %cond3A_2 {
      "tpu.region"() ({
        %run_scoped3A = tpu.sem_alloc : memref<!tpu.dma_semaphore, #tpu.memory_space<semaphore_mem>>
        %dma_start3A = arith.constant 0 : i32
        %dma_start3A_17 = arith.constant 0 : i32
        %dma_start3A_18 = tpu.memref_slice %arg4[%dma_start3A, %dma_start3A_17] : memref<101x768xf32, #tpu.memory_space<vmem>> -> memref<96x768xf32, #tpu.memory_space<vmem>>
        %dma_start3A_19 = arith.constant 0 : i32
        %dma_start3A_20 = arith.constant 0 : i32
        %dma_start3A_21 = tpu.memref_slice %arg2[%dma_start3A_19, %dma_start3A_20] : memref<197x768xf32, #tpu.memory_space<hbm>> -> memref<96x768xf32, #tpu.memory_space<hbm>>
        %dma_start3A_22 = arith.constant 0 : i32
        %dma_start3A_23 = arith.constant 0 : i32
        %dma_start3A_24 = tpu.memref_slice %arg4[%dma_start3A_22, %dma_start3A_23] : memref<101x768xf32, #tpu.memory_space<vmem>> -> memref<96x768xf32, #tpu.memory_space<vmem>>
        %dma_start3A_25 = arith.constant 0 : i32
        %dma_start3A_26 = arith.constant 0 : i32
        %dma_start3A_27 = tpu.memref_slice %arg2[%dma_start3A_25, %dma_start3A_26] : memref<197x768xf32, #tpu.memory_space<hbm>> -> memref<96x768xf32, #tpu.memory_space<hbm>>
        tpu.enqueue_dma source(%dma_start3A_27 : memref<96x768xf32, #tpu.memory_space<hbm>>) target(%dma_start3A_24 : memref<96x768xf32, #tpu.memory_space<vmem>>) target_semaphore(%run_scoped3A : memref<!tpu.dma_semaphore, #tpu.memory_space<semaphore_mem>>)
        %dma_wait3A = arith.constant 0 : i32
        %dma_wait3A_28 = arith.constant 0 : i32
        %dma_wait3A_29 = tpu.memref_slice %arg4[%dma_wait3A, %dma_wait3A_28] : memref<101x768xf32, #tpu.memory_space<vmem>> -> memref<96x768xf32, #tpu.memory_space<vmem>>
        %dma_wait3A_30 = arith.constant 0 : i32
        %dma_wait3A_31 = arith.constant 0 : i32
        %dma_wait3A_32 = tpu.memref_slice %arg2[%dma_wait3A_30, %dma_wait3A_31] : memref<197x768xf32, #tpu.memory_space<hbm>> -> memref<96x768xf32, #tpu.memory_space<hbm>>
        %dma_wait3A_33 = arith.constant 0 : i32
        %dma_wait3A_34 = arith.constant 0 : i32
        %dma_wait3A_35 = tpu.memref_slice %arg4[%dma_wait3A_33, %dma_wait3A_34] : memref<101x768xf32, #tpu.memory_space<vmem>> -> memref<96x768xf32, #tpu.memory_space<vmem>>
        %dma_wait3A_36 = arith.constant 0 : i32
        %dma_wait3A_37 = arith.constant 0 : i32
        %dma_wait3A_38 = tpu.memref_slice %arg2[%dma_wait3A_36, %dma_wait3A_37] : memref<197x768xf32, #tpu.memory_space<hbm>> -> memref<96x768xf32, #tpu.memory_space<hbm>>
        tpu.wait_dma2 semaphore(%run_scoped3A : memref<!tpu.dma_semaphore, #tpu.memory_space<semaphore_mem>>) src(%dma_wait3A_38 : memref<96x768xf32, #tpu.memory_space<hbm>>) dst(%dma_wait3A_35 : memref<96x768xf32, #tpu.memory_space<vmem>>)
        tpu.yield
      }) : () -> ()
      %scan3A = arith.constant 0 : i32
      %scan3A_8 = arith.constant 16 : i32
      %scan3A_9 = arith.addi %scan3A, %scan3A_8 : i32
      %scan3A_10 = arith.constant 1 : i32
      scf.for %scan3A_17 = %scan3A to %scan3A_9 step %scan3A_10  : i32 {
        %mul3A_18 = arith.constant 1 : i32
        %mul3A_19 = arith.muli %scan3A_17, %mul3A_18 : i32
        %add3A = arith.constant 0 : i32
        %add3A_20 = arith.addi %add3A, %mul3A_19 : i32
        %add3A_21 = arith.addi %mul3A_0, %add3A_20 : i32
        %dma_start3A = arith.constant 0 : i32
        %dma_start3A_22 = arith.constant 0 : i32
        %dma_start3A_23 = tpu.memref_slice %arg4[%dma_start3A, %dma_start3A_22] : memref<101x768xf32, #tpu.memory_space<vmem>> -> memref<96x768xf32, #tpu.memory_space<vmem>>
        %dma_start3A_24 = arith.constant 0 : i32
        %dma_start3A_25 = arith.constant 0 : i32
        %dma_start3A_26 = tpu.memref_slice %arg3[%dma_start3A_24, %add3A_21, %dma_start3A_25] : memref<197x256x768xf32, #tpu.memory_space<hbm>> -> memref<96x1x768xf32, #tpu.memory_space<hbm>>
        %dma_start3A_27 = tpu.memref_squeeze %dma_start3A_26 : memref<96x1x768xf32, #tpu.memory_space<hbm>> -> memref<96x768xf32, #tpu.memory_space<hbm>>
        %dma_start3A_28 = arith.constant 0 : i32
        %dma_start3A_29 = arith.constant 0 : i32
        %dma_start3A_30 = tpu.memref_slice %arg3[%dma_start3A_28, %add3A_21, %dma_start3A_29] : memref<197x256x768xf32, #tpu.memory_space<hbm>> -> memref<96x1x768xf32, #tpu.memory_space<hbm>>
        %dma_start3A_31 = tpu.memref_squeeze %dma_start3A_30 : memref<96x1x768xf32, #tpu.memory_space<hbm>> -> memref<96x768xf32, #tpu.memory_space<hbm>>
        %dma_start3A_32 = arith.constant 0 : i32
        %dma_start3A_33 = arith.constant 0 : i32
        %dma_start3A_34 = tpu.memref_slice %arg4[%dma_start3A_32, %dma_start3A_33] : memref<101x768xf32, #tpu.memory_space<vmem>> -> memref<96x768xf32, #tpu.memory_space<vmem>>
        tpu.enqueue_dma source(%dma_start3A_34 : memref<96x768xf32, #tpu.memory_space<vmem>>) target(%dma_start3A_31 : memref<96x768xf32, #tpu.memory_space<hbm>>) target_semaphore(%arg5 : memref<!tpu.dma_semaphore, #tpu.memory_space<semaphore_mem>>)
      }
      %scan3A_11 = arith.constant 16 : i32
      %scan3A_12 = arith.constant 0 : i32
      %scan3A_13 = arith.constant 16 : i32
      %scan3A_14 = arith.addi %scan3A_12, %scan3A_13 : i32
      %scan3A_15 = arith.constant 1 : i32
      scf.for %scan3A_17 = %scan3A_12 to %scan3A_14 step %scan3A_15  : i32 {
        %mul3A_18 = arith.constant 1 : i32
        %mul3A_19 = arith.muli %scan3A_17, %mul3A_18 : i32
        %add3A = arith.constant 0 : i32
        %add3A_20 = arith.addi %add3A, %mul3A_19 : i32
        %add3A_21 = arith.addi %mul3A_0, %add3A_20 : i32
        %dma_wait3A = arith.constant 0 : i32
        %dma_wait3A_22 = arith.constant 0 : i32
        %dma_wait3A_23 = tpu.memref_slice %arg4[%dma_wait3A, %dma_wait3A_22] : memref<101x768xf32, #tpu.memory_space<vmem>> -> memref<96x768xf32, #tpu.memory_space<vmem>>
        %dma_wait3A_24 = arith.constant 0 : i32
        %dma_wait3A_25 = arith.constant 0 : i32
        %dma_wait3A_26 = tpu.memref_slice %arg3[%dma_wait3A_24, %add3A_21, %dma_wait3A_25] : memref<197x256x768xf32, #tpu.memory_space<hbm>> -> memref<96x1x768xf32, #tpu.memory_space<hbm>>
        %dma_wait3A_27 = tpu.memref_squeeze %dma_wait3A_26 : memref<96x1x768xf32, #tpu.memory_space<hbm>> -> memref<96x768xf32, #tpu.memory_space<hbm>>
        %dma_wait3A_28 = arith.constant 0 : i32
        %dma_wait3A_29 = arith.constant 0 : i32
        %dma_wait3A_30 = tpu.memref_slice %arg3[%dma_wait3A_28, %add3A_21, %dma_wait3A_29] : memref<197x256x768xf32, #tpu.memory_space<hbm>> -> memref<96x1x768xf32, #tpu.memory_space<hbm>>
        %dma_wait3A_31 = tpu.memref_squeeze %dma_wait3A_30 : memref<96x1x768xf32, #tpu.memory_space<hbm>> -> memref<96x768xf32, #tpu.memory_space<hbm>>
        %dma_wait3A_32 = arith.constant 0 : i32
        %dma_wait3A_33 = arith.constant 0 : i32
        %dma_wait3A_34 = tpu.memref_slice %arg4[%dma_wait3A_32, %dma_wait3A_33] : memref<101x768xf32, #tpu.memory_space<vmem>> -> memref<96x768xf32, #tpu.memory_space<vmem>>
        tpu.wait_dma2 semaphore(%arg5 : memref<!tpu.dma_semaphore, #tpu.memory_space<semaphore_mem>>) src(%dma_wait3A_34 : memref<96x768xf32, #tpu.memory_space<vmem>>) dst(%dma_wait3A_31 : memref<96x768xf32, #tpu.memory_space<hbm>>)
      }
      %scan3A_16 = arith.constant 16 : i32
    } else {
    }
    %eq3A_3 = arith.constant 1 : i32
    %eq3A_4 = arith.cmpi eq, %arg0, %eq3A_3 : i32
    %convert_element_type3A_5 = arith.extui %eq3A_4 : i1 to i32
    %cond3A_6 = arith.constant 0 : i32
    %cond3A_7 = arith.cmpi ne, %convert_element_type3A_5, %cond3A_6 : i32
    scf.if %cond3A_7 {
      "tpu.region"() ({
        %run_scoped3A = tpu.sem_alloc : memref<!tpu.dma_semaphore, #tpu.memory_space<semaphore_mem>>
        %dma_start3A = arith.constant 0 : i32
        %dma_start3A_17 = arith.constant 0 : i32
        %dma_start3A_18 = tpu.memref_slice %arg4[%dma_start3A, %dma_start3A_17] : memref<101x768xf32, #tpu.memory_space<vmem>> -> memref<101x768xf32, #tpu.memory_space<vmem>>
        %dma_start3A_19 = arith.constant 96 : i32
        %dma_start3A_20 = arith.constant 0 : i32
        %dma_start3A_21 = tpu.memref_slice %arg2[%dma_start3A_19, %dma_start3A_20] : memref<197x768xf32, #tpu.memory_space<hbm>> -> memref<101x768xf32, #tpu.memory_space<hbm>>
        %dma_start3A_22 = arith.constant 0 : i32
        %dma_start3A_23 = arith.constant 0 : i32
        %dma_start3A_24 = tpu.memref_slice %arg4[%dma_start3A_22, %dma_start3A_23] : memref<101x768xf32, #tpu.memory_space<vmem>> -> memref<101x768xf32, #tpu.memory_space<vmem>>
        %dma_start3A_25 = arith.constant 96 : i32
        %dma_start3A_26 = arith.constant 0 : i32
        %dma_start3A_27 = tpu.memref_slice %arg2[%dma_start3A_25, %dma_start3A_26] : memref<197x768xf32, #tpu.memory_space<hbm>> -> memref<101x768xf32, #tpu.memory_space<hbm>>
        tpu.enqueue_dma source(%dma_start3A_27 : memref<101x768xf32, #tpu.memory_space<hbm>>) target(%dma_start3A_24 : memref<101x768xf32, #tpu.memory_space<vmem>>) target_semaphore(%run_scoped3A : memref<!tpu.dma_semaphore, #tpu.memory_space<semaphore_mem>>)
        %dma_wait3A = arith.constant 0 : i32
        %dma_wait3A_28 = arith.constant 0 : i32
        %dma_wait3A_29 = tpu.memref_slice %arg4[%dma_wait3A, %dma_wait3A_28] : memref<101x768xf32, #tpu.memory_space<vmem>> -> memref<101x768xf32, #tpu.memory_space<vmem>>
        %dma_wait3A_30 = arith.constant 96 : i32
        %dma_wait3A_31 = arith.constant 0 : i32
        %dma_wait3A_32 = tpu.memref_slice %arg2[%dma_wait3A_30, %dma_wait3A_31] : memref<197x768xf32, #tpu.memory_space<hbm>> -> memref<101x768xf32, #tpu.memory_space<hbm>>
        %dma_wait3A_33 = arith.constant 0 : i32
        %dma_wait3A_34 = arith.constant 0 : i32
        %dma_wait3A_35 = tpu.memref_slice %arg4[%dma_wait3A_33, %dma_wait3A_34] : memref<101x768xf32, #tpu.memory_space<vmem>> -> memref<101x768xf32, #tpu.memory_space<vmem>>
        %dma_wait3A_36 = arith.constant 96 : i32
        %dma_wait3A_37 = arith.constant 0 : i32
        %dma_wait3A_38 = tpu.memref_slice %arg2[%dma_wait3A_36, %dma_wait3A_37] : memref<197x768xf32, #tpu.memory_space<hbm>> -> memref<101x768xf32, #tpu.memory_space<hbm>>
        tpu.wait_dma2 semaphore(%run_scoped3A : memref<!tpu.dma_semaphore, #tpu.memory_space<semaphore_mem>>) src(%dma_wait3A_38 : memref<101x768xf32, #tpu.memory_space<hbm>>) dst(%dma_wait3A_35 : memref<101x768xf32, #tpu.memory_space<vmem>>)
        tpu.yield
      }) : () -> ()
      %scan3A = arith.constant 0 : i32
      %scan3A_8 = arith.constant 16 : i32
      %scan3A_9 = arith.addi %scan3A, %scan3A_8 : i32
      %scan3A_10 = arith.constant 1 : i32
      scf.for %scan3A_17 = %scan3A to %scan3A_9 step %scan3A_10  : i32 {
        %mul3A_18 = arith.constant 1 : i32
        %mul3A_19 = arith.muli %scan3A_17, %mul3A_18 : i32
        %add3A = arith.constant 0 : i32
        %add3A_20 = arith.addi %add3A, %mul3A_19 : i32
        %add3A_21 = arith.addi %mul3A_0, %add3A_20 : i32
        %dma_start3A = arith.constant 0 : i32
        %dma_start3A_22 = arith.constant 0 : i32
        %dma_start3A_23 = tpu.memref_slice %arg4[%dma_start3A, %dma_start3A_22] : memref<101x768xf32, #tpu.memory_space<vmem>> -> memref<101x768xf32, #tpu.memory_space<vmem>>
        %dma_start3A_24 = arith.constant 96 : i32
        %dma_start3A_25 = arith.constant 0 : i32
        %dma_start3A_26 = tpu.memref_slice %arg3[%dma_start3A_24, %add3A_21, %dma_start3A_25] : memref<197x256x768xf32, #tpu.memory_space<hbm>> -> memref<101x1x768xf32, #tpu.memory_space<hbm>>
        %dma_start3A_27 = tpu.memref_squeeze %dma_start3A_26 : memref<101x1x768xf32, #tpu.memory_space<hbm>> -> memref<101x768xf32, #tpu.memory_space<hbm>>
        %dma_start3A_28 = arith.constant 96 : i32
        %dma_start3A_29 = arith.constant 0 : i32
        %dma_start3A_30 = tpu.memref_slice %arg3[%dma_start3A_28, %add3A_21, %dma_start3A_29] : memref<197x256x768xf32, #tpu.memory_space<hbm>> -> memref<101x1x768xf32, #tpu.memory_space<hbm>>
        %dma_start3A_31 = tpu.memref_squeeze %dma_start3A_30 : memref<101x1x768xf32, #tpu.memory_space<hbm>> -> memref<101x768xf32, #tpu.memory_space<hbm>>
        %dma_start3A_32 = arith.constant 0 : i32
        %dma_start3A_33 = arith.constant 0 : i32
        %dma_start3A_34 = tpu.memref_slice %arg4[%dma_start3A_32, %dma_start3A_33] : memref<101x768xf32, #tpu.memory_space<vmem>> -> memref<101x768xf32, #tpu.memory_space<vmem>>
        tpu.enqueue_dma source(%dma_start3A_34 : memref<101x768xf32, #tpu.memory_space<vmem>>) target(%dma_start3A_31 : memref<101x768xf32, #tpu.memory_space<hbm>>) target_semaphore(%arg5 : memref<!tpu.dma_semaphore, #tpu.memory_space<semaphore_mem>>)
      }
      %scan3A_11 = arith.constant 16 : i32
      %scan3A_12 = arith.constant 0 : i32
      %scan3A_13 = arith.constant 16 : i32
      %scan3A_14 = arith.addi %scan3A_12, %scan3A_13 : i32
      %scan3A_15 = arith.constant 1 : i32
      scf.for %scan3A_17 = %scan3A_12 to %scan3A_14 step %scan3A_15  : i32 {
        %mul3A_18 = arith.constant 1 : i32
        %mul3A_19 = arith.muli %scan3A_17, %mul3A_18 : i32
        %add3A = arith.constant 0 : i32
        %add3A_20 = arith.addi %add3A, %mul3A_19 : i32
        %add3A_21 = arith.addi %mul3A_0, %add3A_20 : i32
        %dma_wait3A = arith.constant 0 : i32
        %dma_wait3A_22 = arith.constant 0 : i32
        %dma_wait3A_23 = tpu.memref_slice %arg4[%dma_wait3A, %dma_wait3A_22] : memref<101x768xf32, #tpu.memory_space<vmem>> -> memref<101x768xf32, #tpu.memory_space<vmem>>
        %dma_wait3A_24 = arith.constant 96 : i32
        %dma_wait3A_25 = arith.constant 0 : i32
        %dma_wait3A_26 = tpu.memref_slice %arg3[%dma_wait3A_24, %add3A_21, %dma_wait3A_25] : memref<197x256x768xf32, #tpu.memory_space<hbm>> -> memref<101x1x768xf32, #tpu.memory_space<hbm>>
        %dma_wait3A_27 = tpu.memref_squeeze %dma_wait3A_26 : memref<101x1x768xf32, #tpu.memory_space<hbm>> -> memref<101x768xf32, #tpu.memory_space<hbm>>
        %dma_wait3A_28 = arith.constant 96 : i32
        %dma_wait3A_29 = arith.constant 0 : i32
        %dma_wait3A_30 = tpu.memref_slice %arg3[%dma_wait3A_28, %add3A_21, %dma_wait3A_29] : memref<197x256x768xf32, #tpu.memory_space<hbm>> -> memref<101x1x768xf32, #tpu.memory_space<hbm>>
        %dma_wait3A_31 = tpu.memref_squeeze %dma_wait3A_30 : memref<101x1x768xf32, #tpu.memory_space<hbm>> -> memref<101x768xf32, #tpu.memory_space<hbm>>
        %dma_wait3A_32 = arith.constant 0 : i32
        %dma_wait3A_33 = arith.constant 0 : i32
        %dma_wait3A_34 = tpu.memref_slice %arg4[%dma_wait3A_32, %dma_wait3A_33] : memref<101x768xf32, #tpu.memory_space<vmem>> -> memref<101x768xf32, #tpu.memory_space<vmem>>
        tpu.wait_dma2 semaphore(%arg5 : memref<!tpu.dma_semaphore, #tpu.memory_space<semaphore_mem>>) src(%dma_wait3A_34 : memref<101x768xf32, #tpu.memory_space<vmem>>) dst(%dma_wait3A_31 : memref<101x768xf32, #tpu.memory_space<hbm>>)
      }
      %scan3A_16 = arith.constant 16 : i32
    } else {
    }
    return
  }
}

</mosaic_0001>

<sc_bundles>
// kernel: kernel.3.cloned.1.call-start
scs
__scs_entry_jumppad:
0x0: {  	(pc) =	sbr.rel $0x88, $3  }
0x1: {  	(tag) =	ssettag $0x0;
	lr =	simm.s32 $0x1  }
0x2: {  	[smem:$0x3FA0] =	sst lr;
	_ =	strace $0xD0000000  }
0x3: {  	_ = 	snop  }
0x4: {  	_ = 	snop  }
0x5: {  	_ = 	snop  }
0x6: {  	_ = 	snop  }
0x7: {  	_ = 	snop  }
__scs_overlays_trampoline_lowered:
0x8: {  	[smem:$0x3FAF] =	sst s0  }
0x9: {  	[smem:$0x3FB0] =	sst s1  }
0xa: {  	[smem:$0x3FB1] =	sst s2  }
0xb: {  	[smem:$0x3FB2] =	sst s3  }
0xc: {  	[smem:$0x3FB3] =	sst s4  }
0xd: {  	[smem:$0x3FB4] =	sst s5  }
0xe: {  	[smem:$0x3FB5] =	sst s6  }
0xf: {  	[smem:$0x3FB6] =	sst s7  }
0x10: {  	[smem:$0x3FB7] =	sst s8  }
0x11: {  	[smem:$0x3FB8] =	sst s9;
	s0 =	simm.s32 @!p0 $0x0  }
0x12: {  	s1 =	sld [smem:$0x3F9E];
	s0 =	simm.s32 @p0 $0x1  }
0x13: {  	[smem:$0x3FB9] =	sst s0;
	s0 =	simm.s32 @!p1 $0x0  }
0x14: {  	s2 =	sld [smem:$0x3F9D];
	s0 =	simm.s32 @p1 $0x1  }
0x15: {  	[smem:$0x3FBA] =	sst s0;
	s0 =	simm.s32 @!p2 $0x0  }
0x16: {  	s3 =	sld [smem:$0x3FDB];
	s0 =	simm.s32 @p2 $0x1  }
0x17: {  	s4 =	simm.s32 $0x1BF5;
	[smem:$0x3FBC] =	sst s0  }
0x18: {  	s0 =	sld [smem:$0x3F9F];
	_ =	swait.ge [sflag:s4], $0x0  }
0x19: {  	s7 =	sld [smem:$0x3FA0]  }
0x1a: {  	s8 =	sadd.s32 $0xFFFFE003, lr  }
0x1b: {  	s9 =	sadd.s32 $0xFFFFFEF7, lr;
	s5 =	simm.s32 $0xFFFFFFFF;
	p2 =	slt.u32 s8, $0xFFFFF086  }
0x1c: {  	p1 =	slt.u32 s9, $0xF7A;
	s5 =	simm.s32 @!p2 $0x0  }
0x1d: {  	s5 =	simm.s32 @p1 $0x1;
	p0 =	seq.s32 s7, s2  }
0x1e: {  	s7 =	smul.u32 @!p0 $0xF7A, s2;
	p2 =	seq.s32 @!p0 s5, $0x0  }
0x1f: {  	s9 =	smul.u32 $0xF7A, s1;
	s8 =	simm.s32 @!p0 $0x1BF5;
	p2 =	por !p2, p0  }
0x20: {  	[sflag:s8] =	ssyncset.s32 @!p0 $0xFFFFF086;
	s6 =	sadd.s32 @!p0 s3, s7;
	s7 =	simm.s32 @!p0 $0x108  }
0x21: {  	s3 =	sadd.s32 s3, s9;
	s6 =	sadd.s32 @!p0 $0x88, s6;
	s7 =	simm.s32 @p2 $0x1082  }
0x22: {  	[simem:s7], [sflag:s8] =	dma.local @!p0 [hbm:s6], $0xF7A  }
0x23: {  	s9 =	sor.u32 $0xD0000000, s2;
	s6 =	simm.s32 $0x108;
	_ =	swait.ge @!p0 [sflag:s8], $0x0  }
0x24: {  	s3 =	sadd.s32 $0x88, s3;
	s6 =	simm.s32 @!p1 $0x1082;
	[sflag:s4] =	ssyncset.s32 $0xFFFFF086  }
0x25: {  	[simem:s6], [sflag:s4] =	dma.local [hbm:s3], $0xF7A  }
0x26: {  	[smem:$0x3FA0] =	sst s1;
	(tag) =	ssettag s2;
	_ =	strace s9  }
0x27: {  	s1 =	sld [smem:$0x3FB0]  }
0x28: {  	s2 =	sld [smem:$0x3FB1]  }
0x29: {  	s4 =	sld [smem:$0x3FB3]  }
0x2a: {  	p0 =	seq.s32 s5, $0x0;
	s5 =	sld [smem:$0x3FB4]  }
0x2b: {  	s6 =	sld [smem:$0x3FB5]  }
0x2c: {  	s7 =	sld [smem:$0x3FB6]  }
0x2d: {  	s3 =	simm.s32 $0x108;
	s8 =	sld [smem:$0x3FB7]  }
0x2e: {  	s3 =	simm.s32 @!p0 $0x1082;
	s9 =	sld [smem:$0x3FB8]  }
0x2f: {  	lr =	sadd.s32 s0, s3;
	s0 =	sld [smem:$0x3FAF]  }
0x30: {  	s3 =	sld [smem:$0x3FB2]  }
0x31: {  	[smem:$0x3FBB] =	sst s10  }
0x32: {  	s10 =	sld [smem:$0x3FB9];
	_ =	sdelay $0x3  }
0x33: {  	p0 =	seq.s32 s10, $0x1;
	s10 =	sld [smem:$0x3FBB];
	_ =	sdelay $0x3  }
0x34: {  	[smem:$0x3FBB] =	sst s10  }
0x35: {  	s10 =	sld [smem:$0x3FBA];
	_ =	sdelay $0x3  }
0x36: {  	p1 =	seq.s32 s10, $0x1;
	s10 =	sld [smem:$0x3FBB];
	_ =	sdelay $0x3  }
0x37: {  	[smem:$0x3FBB] =	sst s10  }
0x38: {  	s10 =	sld [smem:$0x3FBC]  }
0x39: {  	_ = 	snop;
	(pc) =	sbr.ind lr, $3  }
0x3a: {  	_ = 	snop  }
0x3b: {  	_ = 	snop  }
0x3c: {  	p2 =	seq.s32 s10, $0x1;
	s10 =	sld [smem:$0x3FBB]  }
0x3d: {  	_ =	shalt  }
0x3e: {  	_ =	shalt  }
0x3f: {  	_ =	shalt  }
0x40: {  	_ =	shalt  }
0x41: {  	_ =	shalt  }
0x42: {  	_ =	shalt  }
0x43: {  	_ =	shalt  }
0x44: {  	_ =	shalt  }
0x45: {  	_ =	shalt  }
0x46: {  	_ =	shalt  }
0x47: {  	_ =	shalt  }
0x48: {  	_ =	shalt  }
0x49: {  	_ =	shalt  }
0x4a: {  	_ =	shalt  }
0x4b: {  	_ =	shalt  }
0x4c: {  	_ =	shalt  }
0x4d: {  	_ =	shalt  }
0x4e: {  	_ =	shalt  }
0x4f: {  	_ =	shalt  }
0x50: {  	_ =	shalt  }
0x51: {  	_ =	shalt  }
0x52: {  	_ =	shalt  }
0x53: {  	_ =	shalt  }
0x54: {  	_ =	shalt  }
0x55: {  	_ =	shalt  }
0x56: {  	_ =	shalt  }
0x57: {  	_ =	shalt  }
0x58: {  	_ =	shalt  }
0x59: {  	_ =	shalt  }
0x5a: {  	_ =	shalt  }
0x5b: {  	_ =	shalt  }
0x5c: {  	_ =	shalt  }
0x5d: {  	_ =	shalt  }
0x5e: {  	_ =	shalt  }
0x5f: {  	_ =	shalt  }
0x60: {  	_ =	shalt  }
0x61: {  	_ =	shalt  }
0x62: {  	_ =	shalt  }
0x63: {  	_ =	shalt  }
0x64: {  	_ =	shalt  }
0x65: {  	_ =	shalt  }
0x66: {  	_ =	shalt  }
0x67: {  	_ =	shalt  }
0x68: {  	_ =	shalt  }
0x69: {  	_ =	shalt  }
0x6a: {  	_ =	shalt  }
0x6b: {  	_ =	shalt  }
0x6c: {  	_ =	shalt  }
0x6d: {  	_ =	shalt  }
0x6e: {  	_ =	shalt  }
0x6f: {  	_ =	shalt  }
0x70: {  	_ =	shalt  }
0x71: {  	_ =	shalt  }
0x72: {  	_ =	shalt  }
0x73: {  	_ =	shalt  }
0x74: {  	_ =	shalt  }
0x75: {  	_ =	shalt  }
0x76: {  	_ =	shalt  }
0x77: {  	_ =	shalt  }
0x78: {  	_ =	shalt  }
0x79: {  	_ =	shalt  }
0x7a: {  	_ =	shalt  }
0x7b: {  	_ =	shalt  }
0x7c: {  	_ =	shalt  }
0x7d: {  	_ =	shalt  }
0x7e: {  	_ =	shalt  }
0x7f: {  	_ =	shalt  }
0x80: {  	_ =	shalt  }
0x81: {  	_ =	shalt  }
0x82: {  	_ =	shalt  }
0x83: {  	_ =	shalt  }
0x84: {  	_ =	shalt  }
0x85: {  	_ =	shalt  }
0x86: {  	_ =	shalt  }
0x87: {  	_ =	shalt  }
.Lfunc_end0:
.L_simem_size_0:
called_computation_lowered:
.L_overlay_start_0:
0x88: {  	s2 =	sld [smem:$0x3FD9]  }
0x89: {  	s3 =	sld [smem:$0x3FFE];
	_ =	sdelay $0x1  }
0x8a: {  	s1 =	srdreg.scid  }
0x8b: {  	s0 =	sand.u32 $0x1, s1  }
0x8c: {  	s18 =	sshll.u32 s0, $0xA;
	s2 =	sadd.s32 s3, s2  }
0x8d: {  	s2 =	sadd.s32 s2, s18  }
0x8e: {  	[smem:$0x3FC7] =	sst s2  }
0x8f: {  	_ = 	snop  }
0x90: {  	s2 =	sld [smem:$0x3FC9]  }
0x91: {  	s19 =	sld [smem:$0x3FD0];
	(tm) =	ssettm $0x1  }
0x92: {  	s4 =	sld [smem:$0x3FFB];
	_ =	sdelay $0x3  }
0x93: {  	_ =	strace s4  }
0x94: {  	s4 =	sld [smem:$0x3FFC];
	_ =	sdelay $0x3  }
0x95: {  	_ =	strace s4  }
0x96: {  	s4 =	sld [smem:$0x3FFD];
	_ =	sdelay $0x3  }
0x97: {  	_ =	strace s4  }
0x98: {  	_ =	strace $0x8FFFFFFF  }
0x99: {  	s20 =	sld [smem:$0x3FDB];
	_ =	sdelay $0x1  }
0x9a: {  	s5 =	simm.s32 $_scs_section_size  }
0x9b: {  	s6 =	simm.s32 $_size__tile_overlayer_lowered;
	s7 =	simm.s32 $_tile_overlayer_lowered  }
0x9c: {  	s23 =	simm.s32 $0x1BFF;
	s22 =	sshll.u32 s7, $0x1;
	s4 =	sadd.s32 s5, s20  }
0x9d: {  	s8 =	simm.s32 $0x0;
	s21 =	sshll.u32 s6, $0x1;
	s6 =	sadd.s32 s22, s4  }
0x9e: {  	[timem:s8], [sflag:s23] =	dma.local [hbm:s6], s21  }
0x9f: {  	_ =	swait.ge [sflag:s23], s21  }
0xa0: {  	s5 =	ssub.s32 $0x0, s21;
	[sflag:s23] =	ssyncset.done $0x0  }
0xa1: {  	[sflag:s23] =	ssyncadd.s32 s5;
	_ =	sdelay $0x1  }
0xa2: {  	s24 =	simm.s32 $0x1B8B  }
0xa3: {  	_ =	swait.ge [sflag:s24], $0x1  }
0xa4: {  	[sflag:s24] =	ssyncset.done $0x0  }
0xa5: {  	s25 =	simm.s32 $0x1B8E;
	[sflag:s24] =	ssyncadd.s32 $0xFFFFFFFF  }
0xa6: {  	s26 =	simm.s32 $execute0_lowered;
	[smem:$0x3FD2] =	sst s25  }
0xa7: {  	s5 =	sshll.u32 s26, $0x1;
	_ =	strace $0x80000046;
	[dreg:$0x1] =	wrdreg $0xFFFFFFFF  }
0xa8: {  	s28 =	simm.s32 $_size_execute0_lowered;
	s4 =	sadd.s32 s4, s5;
	[dreg:$0x0] =	wrdreg $0x0  }
0xa9: {  	s5 =	sshll.u32 s28, $0x1;
	[dreg:$0x2] =	wrdreg s4  }
0xaa: {  	[dreg:$0x3] =	wrdreg s5  }
0xab: {  	[dreg:$0x4] =	wrdreg $0xC0  }
0xac: {  	_ =	task [dreg:s8], $0x5FFFF  }
0xad: {  	[dreg:$0x1] =	wrdreg $0xFFFFFFFF  }
0xae: {  	[dreg:$0x0] =	wrdreg $0x60  }
0xaf: {  	[dreg:$0x2] =	wrdreg s2  }
0xb0: {  	[dreg:$0x3] =	wrdreg s19  }
0xb1: {  	[dreg:$0x4] =	wrdreg $0x9  }
0xb2: {  	_ =	task.clear_ibuf [dreg:s8], $0x5FFFF;
	_ =	strace $0x90000046  }
0xb3: {  	s29 =	simm.s32 $0x9;
	_ =	strace $0x80000048  }
0xb4: {  	_ =	swait.ge [sflag:s29], $0x1  }
0xb5: {  	[sflag:s29] =	ssyncadd.s32 $0xFFFFFFFF  }
0xb6: {  	_ =	strace $0x90000048  }
0xb7: {  	_ =	sfence  }
0xb8: {  	s30 =	sld [smem:$0x0];
	_ =	sdelay $0x2  }
0xb9: {  	s31 =	sshll.u32 s1, $0xD;
	s1 =	sshrl.u32 s1, $0x2  }
0xba: {  	s3 =	sand.u32 $0x4000, s31;
	s1 =	sadd.s32 s1, s30  }
0xbb: {  	s0 =	sor.u32 s3, s0;
	s1 =	sshll.u32 s1, $0x11  }
0xbc: {  	s0 =	sor.u32 s1, s0  }
0xbd: {  	s0 =	sadd.s32 $0x8F2B, s0  }
0xbe: {  	[sflag:s0] =	ssyncadd.remote.s32 $0x1  }
0xbf: {  	_ =	sfence.sel $0xFFFF  }
0xc0: {  	[dreg:$0x0] =	wrdreg $0xFFFFFFFF;
	(pc) =	sbr.abs _section_cstart, $3  }
0xc1: {  	[dreg:$0x1] =	wrdreg $0xFFFFFFFF  }
0xc2: {  	_ =	task.clear_ibuf [dreg:s8], $0x2FFFF;
	_ =	strace $0x9FFFFFFF  }
0xc3: {  	(tm) =	ssettm $0x7FFFFFFF  }
tec
execute0_lowered:
.L_overlay_start_1:
0x0: {  	(tag) =	ssettag $0x1  }
0x1: {  	s1 =	rddreg [dreg:$0x0]  }
0x2: {  	s2 =	rddreg [dreg:$0x1];
	s4 =	srdreg.scid  }
0x3: {  	s0 =	rddreg [dreg:$0x2];
	s3 =	simm.s32 $0x0;
	s8 =	simm.s32 $0x2  }
0x4: {  	s9 =	simm.s32 $0x80;
	s10 =	simm.s32 $0x30000;
	s11 =	simm.s32 $0x12000  }
0x5: {  	s12 =	simm.s32 $0x12400;
	s13 =	simm.s32 $0x12800;
	s14 =	simm.s32 $0x12C00  }
.Ltmp0:
0x6: {  	s15 =	simm.s32 $0x13000;
	s6 =	sand.u32 $0x1, s4;
	(pc) =	sbr.rel .LBB2_1-.Ltmp0, $4  }
0x7: {  	s16 =	simm.s32 $0x13400;
	s17 =	simm.s32 $0x1;
	s5 =	ssub.s32 $0x2, s6  }
0x8: {  	[smem:$0x7FF] =	sst s3;
	s4 =	stileid.u32;
	s7 =	sshrl.u32 s5, $0x1  }
0x9: {  	_ =	strace $0x80000047;
	p0 =	seq.s32 s6, $0x1;
	s7 =	ssub.s32 s5, s7  }
0xa: {  	s6 =	sadd.s32 $0x2400, s1;
	s5 =	sshll.u32 s4, $0x4;
	s7 =	smax.u32 s7, $0x1  }
.LBB2_12:
0xb: {  	s3 =	sadd.s32 $0x1, s3  }
0xc: {  	p1 =	sne.s32 s3, s7  }
.Ltmp1:
0xd: {  	_ = 	snop;
	(pc) =	sbr.rel @!p1 .LBB2_13-.Ltmp1, $1  }
0xe: {  	_ =	sdelay $0x3  }
.LBB2_1:
.Ltmp2:
0xf: {  	(pc) =	sbr.rel @!p0 .LBB2_2-.Ltmp2, $2  }
0x10: {  	_ =	sdelay $0x2  }
0x11: {  	s18 =	simm.s32 $0x0  }
0x12: {  	[tilespmem:s18], [sflag:$0x2] =	stream.linear.gather [hbm4b:s6+s18], $0x13800, $0x38;
	[tilespmem:$0x13800] =	vst v63  }
0x13: {  	_ =	swait.ge [sflag:s8], $0x13800  }
0x14: {  	[sflag:s8] =	ssyncset.done $0x0  }
0x15: {  	[sflag:s8] =	ssyncadd.s32 $0xFFFEC800  }
.LBB2_8:
0x16: {  	s19 =	sor.u32 s5, s18  }
0x17: {  	s19 =	sshrl.u32 s19, $0x3  }
0x18: {  	s20 =	sshll.u32 s18, $0x7;
	s19 =	smul.u32 $0x1800, s19  }
0x19: {  	s20 =	sand.u32 $0x380, s20  }
0x1a: {  	s19 =	sor.u32 s20, s19  }
0x1b: {  	s19 =	sshrl.u32 s19, $0x3  }
0x1c: {  	s19 =	sor.u32 $0x240000, s19  }
0x1d: {  	s23 =	simm.s32 $0x0;
	s19 =	sadd.s32 s2, s19  }
0x1e: {  	[hbm4b:s19+s9] =	stream.strided.scatter [tilespmem:s23], [sflag:$0x1], $0x400, s10, s9, $0x38;
	[tilespmem:$0x13800] =	vst v63  }
0x1f: {  	s24 =	simm.s32 $0x400;
	s25 =	simm.s32 $0x800;
	s21 =	sadd.s32 $0x80, s19  }
0x20: {  	[hbm4b:s21+s9] =	stream.strided.scatter [tilespmem:s24], [sflag:$0x1], $0x400, s10, s9, $0x38;
	[tilespmem:$0x13800] =	vst v63  }
0x21: {  	s28 =	simm.s32 $0xC00;
	s30 =	simm.s32 $0x1000;
	s26 =	sadd.s32 $0x100, s19  }
0x22: {  	[hbm4b:s26+s9] =	stream.strided.scatter [tilespmem:s25], [sflag:$0x1], $0x400, s10, s9, $0x38;
	[tilespmem:$0x13800] =	vst v63  }
0x23: {  	s22 =	simm.s32 $0x1400;
	s20 =	simm.s32 $0x6000;
	s29 =	sadd.s32 $0x180, s19  }
0x24: {  	[hbm4b:s29+s9] =	stream.strided.scatter [tilespmem:s28], [sflag:$0x1], $0x400, s10, s9, $0x38;
	[tilespmem:$0x13800] =	vst v63  }
0x25: {  	s31 =	sadd.s32 $0x200, s19;
	s23 =	sadd.s32 $0x280, s19;
	s21 =	sadd.s32 $0x30000, s19  }
0x26: {  	[hbm4b:s31+s9] =	stream.strided.scatter [tilespmem:s30], [sflag:$0x1], $0x400, s10, s9, $0x38;
	[tilespmem:$0x13800] =	vst v63  }
.LBB2_9:
0x27: {  	[hbm4b:s23+s9] =	stream.strided.scatter [tilespmem:s22], [sflag:$0x1], $0x400, s10, s9, $0x38;
	[tilespmem:$0x13800] =	vst v63  }
0x28: {  	s22 =	sshra.s32 s20, $0x2;
	p1 =	seq.s32 s20, $0x42000;
	s20 =	sadd.s32 $0x6000, s20  }
0x29: {  	[hbm4b:s21+s9] =	stream.strided.scatter [tilespmem:s22], [sflag:$0x1], $0x400, s10, s9, $0x38;
	[tilespmem:$0x13800] =	vst v63  }
0x2a: {  	s24 =	sadd.s32 $0x80, s21;
	s23 =	sadd.s32 $0x400, s22  }
0x2b: {  	[hbm4b:s24+s9] =	stream.strided.scatter [tilespmem:s23], [sflag:$0x1], $0x400, s10, s9, $0x38;
	[tilespmem:$0x13800] =	vst v63  }
0x2c: {  	s23 =	sadd.s32 $0x800, s22;
	s24 =	sadd.s32 $0x100, s21  }
0x2d: {  	[hbm4b:s24+s9] =	stream.strided.scatter [tilespmem:s23], [sflag:$0x1], $0x400, s10, s9, $0x38;
	[tilespmem:$0x13800] =	vst v63  }
.Ltmp3:
0x2e: {  	s23 =	sadd.s32 $0xC00, s22;
	s24 =	sadd.s32 $0x180, s21;
	(pc) =	sbr.rel @!p1 .LBB2_9-.Ltmp3, $4  }
0x2f: {  	[hbm4b:s24+s9] =	stream.strided.scatter [tilespmem:s23], [sflag:$0x1], $0x400, s10, s9, $0x38;
	[tilespmem:$0x13800] =	vst v63  }
0x30: {  	s23 =	sadd.s32 $0x1000, s22;
	s24 =	sadd.s32 $0x200, s21  }
0x31: {  	[hbm4b:s24+s9] =	stream.strided.scatter [tilespmem:s23], [sflag:$0x1], $0x400, s10, s9, $0x38;
	[tilespmem:$0x13800] =	vst v63  }
0x32: {  	s22 =	sadd.s32 $0x1400, s22;
	s23 =	sadd.s32 $0x280, s21;
	s21 =	sadd.s32 $0x30000, s21  }
0x33: {  	[hbm4b:s23+s9] =	stream.strided.scatter [tilespmem:s22], [sflag:$0x1], $0x400, s10, s9, $0x38;
	[tilespmem:$0x13800] =	vst v63  }
0x34: {  	s19 =	sadd.s32 $0x240000, s19  }
0x35: {  	[hbm4b:s19+s9] =	stream.strided.scatter [tilespmem:s11], [sflag:$0x1], $0x280, s10, s9, $0x38;
	[tilespmem:$0x13800] =	vst v63  }
0x36: {  	s20 =	sadd.s32 $0x80, s19  }
0x37: {  	[hbm4b:s20+s9] =	stream.strided.scatter [tilespmem:s12], [sflag:$0x1], $0x280, s10, s9, $0x38;
	[tilespmem:$0x13800] =	vst v63  }
0x38: {  	s18 =	sadd.s32 $0x1, s18;
	s29 =	sadd.s32 $0x100, s19  }
0x39: {  	[hbm4b:s29+s9] =	stream.strided.scatter [tilespmem:s13], [sflag:$0x1], $0x280, s10, s9, $0x38;
	[tilespmem:$0x13800] =	vst v63  }
0x3a: {  	s30 =	sadd.s32 $0x180, s19;
	p1 =	seq.s32 s18, $0x10  }
0x3b: {  	[hbm4b:s30+s9] =	stream.strided.scatter [tilespmem:s14], [sflag:$0x1], $0x280, s10, s9, $0x38;
	[tilespmem:$0x13800] =	vst v63  }
.Ltmp4:
0x3c: {  	_ = 	snop;
	(pc) =	sbr.rel @!p1 .LBB2_8-.Ltmp4, $4  }
0x3d: {  	s31 =	sadd.s32 $0x200, s19  }
0x3e: {  	[hbm4b:s31+s9] =	stream.strided.scatter [tilespmem:s15], [sflag:$0x1], $0x280, s10, s9, $0x38;
	[tilespmem:$0x13800] =	vst v63  }
0x3f: {  	s19 =	sadd.s32 $0x280, s19  }
0x40: {  	[hbm4b:s19+s9] =	stream.strided.scatter [tilespmem:s16], [sflag:$0x1], $0x280, s10, s9, $0x38;
	[tilespmem:$0x13800] =	vst v63  }
0x41: {  	_ =	swait.ge [sflag:s17], $0x12F00  }
0x42: {  	[sflag:s17] =	ssyncset.done $0x0  }
0x43: {  	[sflag:s17] =	ssyncadd.s32 $0xFFFED100  }
0x44: {  	_ =	swait.ge [sflag:s17], $0x12F00  }
0x45: {  	[sflag:s17] =	ssyncset.done $0x0  }
0x46: {  	[sflag:s17] =	ssyncadd.s32 $0xFFFED100  }
0x47: {  	_ =	swait.ge [sflag:s17], $0x12F00  }
0x48: {  	[sflag:s17] =	ssyncset.done $0x0  }
0x49: {  	[sflag:s17] =	ssyncadd.s32 $0xFFFED100  }
0x4a: {  	_ =	swait.ge [sflag:s17], $0x12F00  }
0x4b: {  	[sflag:s17] =	ssyncset.done $0x0  }
0x4c: {  	[sflag:s17] =	ssyncadd.s32 $0xFFFED100  }
0x4d: {  	_ =	swait.ge [sflag:s17], $0x12F00  }
0x4e: {  	[sflag:s17] =	ssyncset.done $0x0  }
0x4f: {  	[sflag:s17] =	ssyncadd.s32 $0xFFFED100  }
0x50: {  	_ =	swait.ge [sflag:s17], $0x12F00  }
0x51: {  	[sflag:s17] =	ssyncset.done $0x0  }
0x52: {  	[sflag:s17] =	ssyncadd.s32 $0xFFFED100  }
0x53: {  	_ =	swait.ge [sflag:s17], $0x12F00  }
0x54: {  	[sflag:s17] =	ssyncset.done $0x0  }
0x55: {  	[sflag:s17] =	ssyncadd.s32 $0xFFFED100  }
0x56: {  	_ =	swait.ge [sflag:s17], $0x12F00  }
0x57: {  	[sflag:s17] =	ssyncset.done $0x0  }
0x58: {  	[sflag:s17] =	ssyncadd.s32 $0xFFFED100  }
0x59: {  	_ =	swait.ge [sflag:s17], $0x12F00  }
0x5a: {  	[sflag:s17] =	ssyncset.done $0x0  }
0x5b: {  	[sflag:s17] =	ssyncadd.s32 $0xFFFED100  }
0x5c: {  	_ =	swait.ge [sflag:s17], $0x12F00  }
0x5d: {  	[sflag:s17] =	ssyncset.done $0x0  }
0x5e: {  	[sflag:s17] =	ssyncadd.s32 $0xFFFED100  }
0x5f: {  	_ =	swait.ge [sflag:s17], $0x12F00  }
0x60: {  	[sflag:s17] =	ssyncset.done $0x0  }
0x61: {  	[sflag:s17] =	ssyncadd.s32 $0xFFFED100  }
0x62: {  	_ =	swait.ge [sflag:s17], $0x12F00  }
0x63: {  	[sflag:s17] =	ssyncset.done $0x0  }
0x64: {  	[sflag:s17] =	ssyncadd.s32 $0xFFFED100  }
0x65: {  	_ =	swait.ge [sflag:s17], $0x12F00  }
0x66: {  	[sflag:s17] =	ssyncset.done $0x0  }
0x67: {  	[sflag:s17] =	ssyncadd.s32 $0xFFFED100  }
0x68: {  	_ =	swait.ge [sflag:s17], $0x12F00  }
0x69: {  	[sflag:s17] =	ssyncset.done $0x0  }
0x6a: {  	[sflag:s17] =	ssyncadd.s32 $0xFFFED100  }
0x6b: {  	_ =	swait.ge [sflag:s17], $0x12F00  }
.Ltmp5:
0x6c: {  	[sflag:s17] =	ssyncset.done $0x0;
	(pc) =	sbr.rel .LBB2_12-.Ltmp5, $4  }
0x6d: {  	[sflag:s17] =	ssyncadd.s32 $0xFFFED100  }
0x6e: {  	_ =	swait.ge [sflag:s17], $0x12F00  }
0x6f: {  	[sflag:s17] =	ssyncset.done $0x0  }
0x70: {  	[sflag:s17] =	ssyncadd.s32 $0xFFFED100  }
.LBB2_2:
0x71: {  	[tilespmem:s18], [sflag:$0x2] =	stream.linear.gather [hbm4b:s1+s18], $0x12000, $0x38;
	[tilespmem:$0x13800] =	vst v63  }
0x72: {  	_ =	swait.ge [sflag:s8], $0x12000  }
0x73: {  	[sflag:s8] =	ssyncset.done $0x0  }
0x74: {  	[sflag:s8] =	ssyncadd.s32 $0xFFFEE000  }
.LBB2_3:
0x75: {  	s19 =	sor.u32 s5, s18  }
0x76: {  	s19 =	sshrl.u32 s19, $0x3  }
0x77: {  	s20 =	sshll.u32 s18, $0x7;
	s19 =	smul.u32 $0x1800, s19  }
0x78: {  	s20 =	sand.u32 $0x380, s20  }
0x79: {  	s19 =	sor.u32 s20, s19  }
0x7a: {  	s19 =	sshrl.u32 s19, $0x3  }
0x7b: {  	s23 =	simm.s32 $0x0;
	s20 =	sadd.s32 s2, s19  }
0x7c: {  	[hbm4b:s20+s9] =	stream.strided.scatter [tilespmem:s23], [sflag:$0x1], $0x400, s10, s9, $0x38;
	[tilespmem:$0x13800] =	vst v63  }
0x7d: {  	s24 =	simm.s32 $0x400;
	s25 =	simm.s32 $0x800;
	s21 =	sadd.s32 $0x80, s20  }
0x7e: {  	[hbm4b:s21+s9] =	stream.strided.scatter [tilespmem:s24], [sflag:$0x1], $0x400, s10, s9, $0x38;
	[tilespmem:$0x13800] =	vst v63  }
0x7f: {  	s28 =	simm.s32 $0xC00;
	s30 =	simm.s32 $0x1000;
	s26 =	sadd.s32 $0x100, s20  }
0x80: {  	[hbm4b:s26+s9] =	stream.strided.scatter [tilespmem:s25], [sflag:$0x1], $0x400, s10, s9, $0x38;
	[tilespmem:$0x13800] =	vst v63  }
0x81: {  	s19 =	simm.s32 $0x6000;
	s29 =	sadd.s32 $0x180, s20;
	s31 =	sadd.s32 $0x200, s20  }
0x82: {  	[hbm4b:s29+s9] =	stream.strided.scatter [tilespmem:s28], [sflag:$0x1], $0x400, s10, s9, $0x38;
	[tilespmem:$0x13800] =	vst v63  }
0x83: {  	s22 =	sadd.s32 $0x280, s20;
	s20 =	sadd.s32 $0x30000, s20;
	s21 =	simm.s32 $0x1400  }
0x84: {  	[hbm4b:s31+s9] =	stream.strided.scatter [tilespmem:s30], [sflag:$0x1], $0x400, s10, s9, $0x38;
	[tilespmem:$0x13800] =	vst v63  }
.LBB2_4:
0x85: {  	[hbm4b:s22+s9] =	stream.strided.scatter [tilespmem:s21], [sflag:$0x1], $0x400, s10, s9, $0x38;
	[tilespmem:$0x13800] =	vst v63  }
0x86: {  	s21 =	sshra.s32 s19, $0x2;
	p1 =	sne.s32 s19, $0x42000;
	s19 =	sadd.s32 $0x6000, s19  }
0x87: {  	[hbm4b:s20+s9] =	stream.strided.scatter [tilespmem:s21], [sflag:$0x1], $0x400, s10, s9, $0x38;
	[tilespmem:$0x13800] =	vst v63  }
0x88: {  	s23 =	sadd.s32 $0x80, s20;
	s22 =	sadd.s32 $0x400, s21  }
0x89: {  	[hbm4b:s23+s9] =	stream.strided.scatter [tilespmem:s22], [sflag:$0x1], $0x400, s10, s9, $0x38;
	[tilespmem:$0x13800] =	vst v63  }
0x8a: {  	s22 =	sadd.s32 $0x800, s21;
	s23 =	sadd.s32 $0x100, s20  }
0x8b: {  	[hbm4b:s23+s9] =	stream.strided.scatter [tilespmem:s22], [sflag:$0x1], $0x400, s10, s9, $0x38;
	[tilespmem:$0x13800] =	vst v63  }
.Ltmp6:
0x8c: {  	s22 =	sadd.s32 $0xC00, s21;
	s23 =	sadd.s32 $0x180, s20;
	(pc) =	sbr.rel @p1 .LBB2_4-.Ltmp6, $4  }
0x8d: {  	[hbm4b:s23+s9] =	stream.strided.scatter [tilespmem:s22], [sflag:$0x1], $0x400, s10, s9, $0x38;
	[tilespmem:$0x13800] =	vst v63  }
0x8e: {  	s22 =	sadd.s32 $0x1000, s21;
	s23 =	sadd.s32 $0x200, s20  }
0x8f: {  	[hbm4b:s23+s9] =	stream.strided.scatter [tilespmem:s22], [sflag:$0x1], $0x400, s10, s9, $0x38;
	[tilespmem:$0x13800] =	vst v63  }
0x90: {  	s21 =	sadd.s32 $0x1400, s21;
	s22 =	sadd.s32 $0x280, s20;
	s20 =	sadd.s32 $0x30000, s20  }
0x91: {  	s18 =	sadd.s32 $0x1, s18  }
0x92: {  	p1 =	sne.s32 s18, $0x10  }
.Ltmp7:
0x93: {  	_ = 	snop;
	(pc) =	sbr.rel @p1 .LBB2_3-.Ltmp7, $2  }
0x94: {  	_ =	sdelay $0x2  }
0x95: {  	[hbm4b:s22+s9] =	stream.strided.scatter [tilespmem:s21], [sflag:$0x1], $0x400, s10, s9, $0x38;
	[tilespmem:$0x13800] =	vst v63  }
0x96: {  	_ =	swait.ge [sflag:s17], $0x12000  }
0x97: {  	[sflag:s17] =	ssyncset.done $0x0  }
0x98: {  	[sflag:s17] =	ssyncadd.s32 $0xFFFEE000  }
0x99: {  	_ =	swait.ge [sflag:s17], $0x12000  }
0x9a: {  	[sflag:s17] =	ssyncset.done $0x0  }
0x9b: {  	[sflag:s17] =	ssyncadd.s32 $0xFFFEE000  }
0x9c: {  	_ =	swait.ge [sflag:s17], $0x12000  }
0x9d: {  	[sflag:s17] =	ssyncset.done $0x0  }
0x9e: {  	[sflag:s17] =	ssyncadd.s32 $0xFFFEE000  }
0x9f: {  	_ =	swait.ge [sflag:s17], $0x12000  }
0xa0: {  	[sflag:s17] =	ssyncset.done $0x0  }
0xa1: {  	[sflag:s17] =	ssyncadd.s32 $0xFFFEE000  }
0xa2: {  	_ =	swait.ge [sflag:s17], $0x12000  }
0xa3: {  	[sflag:s17] =	ssyncset.done $0x0  }
0xa4: {  	[sflag:s17] =	ssyncadd.s32 $0xFFFEE000  }
0xa5: {  	_ =	swait.ge [sflag:s17], $0x12000  }
0xa6: {  	[sflag:s17] =	ssyncset.done $0x0  }
0xa7: {  	[sflag:s17] =	ssyncadd.s32 $0xFFFEE000  }
0xa8: {  	_ =	swait.ge [sflag:s17], $0x12000  }
0xa9: {  	[sflag:s17] =	ssyncset.done $0x0  }
0xaa: {  	[sflag:s17] =	ssyncadd.s32 $0xFFFEE000  }
0xab: {  	_ =	swait.ge [sflag:s17], $0x12000  }
0xac: {  	[sflag:s17] =	ssyncset.done $0x0  }
0xad: {  	[sflag:s17] =	ssyncadd.s32 $0xFFFEE000  }
0xae: {  	_ =	swait.ge [sflag:s17], $0x12000  }
0xaf: {  	[sflag:s17] =	ssyncset.done $0x0  }
0xb0: {  	[sflag:s17] =	ssyncadd.s32 $0xFFFEE000  }
0xb1: {  	_ =	swait.ge [sflag:s17], $0x12000  }
0xb2: {  	[sflag:s17] =	ssyncset.done $0x0  }
0xb3: {  	[sflag:s17] =	ssyncadd.s32 $0xFFFEE000  }
0xb4: {  	_ =	swait.ge [sflag:s17], $0x12000  }
0xb5: {  	[sflag:s17] =	ssyncset.done $0x0  }
0xb6: {  	[sflag:s17] =	ssyncadd.s32 $0xFFFEE000  }
0xb7: {  	_ =	swait.ge [sflag:s17], $0x12000  }
0xb8: {  	[sflag:s17] =	ssyncset.done $0x0  }
0xb9: {  	[sflag:s17] =	ssyncadd.s32 $0xFFFEE000  }
0xba: {  	_ =	swait.ge [sflag:s17], $0x12000  }
0xbb: {  	[sflag:s17] =	ssyncset.done $0x0  }
0xbc: {  	[sflag:s17] =	ssyncadd.s32 $0xFFFEE000  }
0xbd: {  	_ =	swait.ge [sflag:s17], $0x12000  }
0xbe: {  	[sflag:s17] =	ssyncset.done $0x0  }
0xbf: {  	[sflag:s17] =	ssyncadd.s32 $0xFFFEE000  }
0xc0: {  	_ =	swait.ge [sflag:s17], $0x12000  }
.Ltmp8:
0xc1: {  	[sflag:s17] =	ssyncset.done $0x0;
	(pc) =	sbr.rel .LBB2_12-.Ltmp8, $4  }
0xc2: {  	[sflag:s17] =	ssyncadd.s32 $0xFFFEE000  }
0xc3: {  	_ =	swait.ge [sflag:s17], $0x12000  }
0xc4: {  	[sflag:s17] =	ssyncset.done $0x0  }
0xc5: {  	[sflag:s17] =	ssyncadd.s32 $0xFFFEE000  }
.LBB2_13:
0xc6: {  	_ =	sfence.sel $0x180000  }
0xc7: {  	[bflag:$0x0] =	sbarrier.arrive $0xFFFF  }
0xc8: {  	p0 =	sne.s32 s4, $0x0;
	_ =	strace $0x90000047  }
0xc9: {  	s0 =	sadd.s32 @!p0 $0x100000, s0;
	[bflag:$0x2] =	sbarrier.arrive $0xFFFF  }
0xca: {  	[sflag:s0] =	ssyncadd.tile.s32 @!p0 $0x1;
	_ =	shalt  }
.Lfunc_end2:
_tile_overlayer_lowered:
.L_overlay_start_2:
0xcb: {  	(tag) =	ssettag $0x2  }
0xcc: {  	s0 =	rddreg [dreg:$0x0];
	s2 =	stileid.u32  }
0xcd: {  	s1 =	rddreg [dreg:$0x1];
	p0 =	sne.s32 s2, $0x0  }
0xce: {  	s3 =	rddreg [dreg:$0x2];
	[bflag:$0x3] =	sbarrier.arrive $0xFFFF;
	s2 =	simm.s32 @!p0 $0x1C02  }
0xcf: {  	[timem:s3], [sflag:s2] =	dma.local @!p0 [hbm:s0], s1  }
0xd0: {  	s0 =	simm.s32 @!p0 $0x2  }
0xd1: {  	_ =	swait.ge @!p0 [sflag:s0], s1  }
0xd2: {  	s1 =	ssub.s32 @!p0 $0x0, s1;
	[sflag:s0] =	ssyncset.done @!p0 $0x0  }
0xd3: {  	[sflag:s0] =	ssyncadd.s32 @!p0 s1  }
0xd4: {  	[bflag:$0x3] =	sbarrier.arrive $0xFFFF  }
0xd5: {  	_ =	shalt  }

</sc_bundles>
